<compile_context>
chip_gen: v7x
topology: tpu7x:2x2x1
jax: 0.10.2.dev20260603
libtpu: 0.0.44.dev20260713+nightly
codegen_flags: <defaults>
</compile_context>

<pallas_src>
import jax
import jax.numpy as jnp
from jax.experimental import pallas as pl
from jax.experimental.pallas import tpu as pltpu

NCLS = 80
NA = 6400
NG = 50
TOPK = 10
_BIG = 3.0e38


def _bce(x, t):
    return jnp.clip(x, 0.0) - x * t + jnp.log1p(jnp.exp(-jnp.abs(x)))


def _smooth_l1(d):
    ad = jnp.abs(d)
    return jnp.where(ad < 1.0, 0.5 * ad * ad, ad - 0.5)


def _loss_kernel(predt_ref, gtb_ref, oh_ref, box_ref, obj_ref, cls_ref):
    predt = predt_ref[0]
    px1 = predt[0:1, :]
    py1 = predt[1:2, :]
    px2 = predt[2:3, :]
    py2 = predt[3:4, :]
    obj = predt[4:5, :]
    xt = predt[5:5 + NCLS, :]

    gtb = gtb_ref[0]
    gx1 = gtb[:, 0:1]
    gy1 = gtb[:, 1:2]
    gx2 = gtb[:, 2:3]
    gy2 = gtb[:, 3:4]

    tlx = jnp.maximum(gx1, px1)
    tly = jnp.maximum(gy1, py1)
    brx = jnp.minimum(gx2, px2)
    bry = jnp.minimum(gy2, py2)
    inter = jnp.clip(brx - tlx, 0.0) * jnp.clip(bry - tly, 0.0)
    area_g = (gx2 - gx1) * (gy2 - gy1)
    area_p = (px2 - px1) * (py2 - py1)
    pair_ious = jnp.clip(inter / (area_g + area_p - inter + 1e-8), 0.0, 1.0)

    p = jax.nn.sigmoid(xt)
    logp = jnp.log(p + 1e-8)
    log1mp = jnp.log(1.0 - p + 1e-8)
    oh = oh_ref[0]
    c1 = jnp.dot(oh, logp, preferred_element_type=jnp.float32)
    c2 = jnp.dot(1.0 - oh, log1mp, preferred_element_type=jnp.float32)
    cost = -(c1 + c2) - 3.0 * jnp.log(pair_ious + 1e-8)

    acc = jnp.zeros((NG, 1), jnp.float32)
    vals = pair_ious
    for _ in range(TOPK):
        m = jnp.max(vals, axis=1, keepdims=True)
        acc = acc + jnp.maximum(m, 0.0)
        vals = jnp.where(vals == m, -1.0, vals)
    kf = jnp.clip(jnp.floor(acc), 1.0, float(TOPK))

    kmax = jnp.max(kf).astype(jnp.int32)

    def _extract(i, carry):
        thr, work = carry
        m = jnp.min(work, axis=1, keepdims=True)
        thr = jnp.where(i.astype(jnp.float32) < kf, m, thr)
        work = jnp.where(work == m, _BIG, work)
        return thr, work

    thr, _ = jax.lax.fori_loop(
        0, kmax, _extract, (jnp.full((NG, 1), _BIG, jnp.float32), cost))
    matched = (cost <= thr).astype(jnp.float32)

    cnt_n = jnp.sum(matched, axis=0, keepdims=True)
    iota_g = jax.lax.broadcasted_iota(jnp.int32, (NG, NA), 0)
    cmin = jnp.min(cost, axis=0, keepdims=True)
    gfirst = jnp.min(jnp.where(cost == cmin, iota_g, NG), axis=0, keepdims=True)
    best = (iota_g == gfirst).astype(jnp.float32)
    M = jnp.where(cnt_n > 1.0, best, matched)
    mask = (cnt_n > 0.0).astype(jnp.float32)
    num_fg = jnp.maximum(jnp.sum(mask), 1.0)

    ax1 = jnp.sum(M * gx1, axis=0, keepdims=True)
    ay1 = jnp.sum(M * gy1, axis=0, keepdims=True)
    ax2 = jnp.sum(M * gx2, axis=0, keepdims=True)
    ay2 = jnp.sum(M * gy2, axis=0, keepdims=True)

    sl = (_smooth_l1(px1 - ax1) + _smooth_l1(py1 - ay1)
          + _smooth_l1(px2 - ax2) + _smooth_l1(py2 - ay2))
    box_l = jnp.sum(mask * sl) / (num_fg * 4.0)

    itlx = jnp.maximum(px1, ax1)
    itly = jnp.maximum(py1, ay1)
    ibrx = jnp.minimum(px2, ax2)
    ibry = jnp.minimum(py2, ay2)
    inter2 = jnp.clip(ibrx - itlx, 0.0) * jnp.clip(ibry - itly, 0.0)
    area_a = (ax2 - ax1) * (ay2 - ay1)
    iou_t = inter2 / (area_p + area_a - inter2 + 1e-8)
    s = jax.nn.sigmoid(obj)
    obj_l = jnp.sum(mask * _bce(s, iou_t)) / num_fg

    sp_sum = -jnp.sum(log1mp, axis=0, keepdims=True)
    t_oh = jax.lax.dot_general(oh, M, (((0,), (0,)), ((), ())),
                               preferred_element_type=jnp.float32)
    xl = jnp.sum(xt * t_oh, axis=0, keepdims=True)
    cls_l = jnp.sum(mask * (sp_sum - xl)) / (num_fg * float(NCLS))

    box_ref[0] = jnp.broadcast_to(box_l, (1, 1))
    obj_ref[0] = jnp.broadcast_to(obj_l, (1, 1))
    cls_ref[0] = jnp.broadcast_to(cls_l, (1, 1))


def kernel(preds, gt_boxes, gt_labels):
    B = preds.shape[0]
    preds_t = jnp.transpose(
        preds.reshape(B, preds.shape[1], NA, 5 + NCLS)[:, 0], (0, 2, 1))
    oh = jax.nn.one_hot(gt_labels, NCLS, dtype=jnp.float32)

    box_a, obj_a, cls_a = pl.pallas_call(
        _loss_kernel,
        grid=(B,),
        in_specs=[
            pl.BlockSpec((1, 5 + NCLS, NA), lambda b: (b, 0, 0)),
            pl.BlockSpec((1, NG, 4), lambda b: (b, 0, 0)),
            pl.BlockSpec((1, NG, NCLS), lambda b: (b, 0, 0)),
        ],
        out_specs=[
            pl.BlockSpec((1, 1, 1), lambda b: (b, 0, 0)),
            pl.BlockSpec((1, 1, 1), lambda b: (b, 0, 0)),
            pl.BlockSpec((1, 1, 1), lambda b: (b, 0, 0)),
        ],
        out_shape=[jax.ShapeDtypeStruct((B, 1, 1), jnp.float32)] * 3,
        compiler_params=pltpu.CompilerParams(
            dimension_semantics=("parallel",)),
    )(preds_t, gt_boxes, oh)

    box = jnp.sum(box_a)
    obj = jnp.sum(obj_a)
    cls = jnp.sum(cls_a)
    bf = float(B)
    total = (5.0 * box + 1.0 * obj + 1.0 * cls) / bf
    return (total, box / bf, obj / bf, cls / bf)

# --- scband reference (transcript-rebuilt; emitter-appended) ---
"""Pipeline reference for scband-yololoss-8581344657529 (READ-ONLY COPY).

The authoritative reference and input builder live on the scoring server;
editing this copy changes nothing except your own understanding.
"""

import jax, jax.numpy as jnp
import numpy as np

NUM_CLASSES = 80
LAMBDA_BOX = 5.0
LAMBDA_OBJ = 1.0
LAMBDA_CLS = 1.0


def bbox_iou_pairwise(a, b):
    tl = jnp.maximum(a[:, None, :2], b[None, :, :2])
    br = jnp.minimum(a[:, None, 2:], b[None, :, 2:])
    wh = jnp.clip(br - tl, 0.0)
    inter = wh[..., 0] * wh[..., 1]
    area_a = (a[:, 2] - a[:, 0]) * (a[:, 3] - a[:, 1])
    area_b = (b[:, 2] - b[:, 0]) * (b[:, 3] - b[:, 1])
    return inter / (area_a[:, None] + area_b[None, :] - inter + 1e-8)


def bbox_iou_elementwise(a, b):
    tl = jnp.maximum(a[:, :2], b[:, :2])
    br = jnp.minimum(a[:, 2:], b[:, 2:])
    wh = jnp.clip(br - tl, 0.0)
    inter = wh[:, 0] * wh[:, 1]
    area_a = (a[:, 2] - a[:, 0]) * (a[:, 3] - a[:, 1])
    area_b = (b[:, 2] - b[:, 0]) * (b[:, 3] - b[:, 1])
    return inter / (area_a + area_b - inter + 1e-8)


def bce_with_logits(x, t):
    return jnp.clip(x, 0.0) - x * t + jnp.log1p(jnp.exp(-jnp.abs(x)))


def smooth_l1(x):
    ax = jnp.abs(x)
    return jnp.where(ax < 1.0, 0.5 * ax * ax, ax - 0.5)


def simota_matching(boxes_pred, cls_pred, gt_boxes, gt_labels, num_classes):
    G = gt_boxes.shape[0]
    N = boxes_pred.shape[0]
    pair_ious = jnp.clip(bbox_iou_pairwise(gt_boxes, boxes_pred), 0.0, 1.0)  # [G, N]
    iou_cost = -jnp.log(pair_ious + 1e-8)
    cls_prob = jax.nn.sigmoid(cls_pred)  # [N, C]
    gt_onehot = jax.nn.one_hot(gt_labels, num_classes)  # [G, C]
    eps = 1e-8
    log_p = jnp.log(cls_prob + eps)
    log_1mp = jnp.log(1.0 - cls_prob + eps)
    cls_cost = -(gt_onehot @ log_p.T + (1.0 - gt_onehot) @ log_1mp.T)  # [G, N]
    cost = cls_cost + 3.0 * iou_cost
    n_candidate = min(10, N)
    topk_ious, _ = jax.lax.top_k(pair_ious, n_candidate)
    dynamic_ks = jnp.clip(topk_ious.sum(axis=1).astype(jnp.int32), 1, N)  # [G]
    order = jnp.argsort(cost, axis=1)
    ranks = jnp.argsort(order, axis=1)
    matching = (ranks < dynamic_ks[:, None]).astype(jnp.float32)  # [G, N]
    anchor_matching = matching.sum(axis=0)
    multiple = anchor_matching > 1.0
    cost_argmin = jnp.argmin(cost, axis=0)  # [N]
    best = jax.nn.one_hot(cost_argmin, G).T  # [G, N]
    matching = jnp.where(multiple[None, :], best, matching)
    fg_mask = matching.sum(axis=0) > 0.0  # [N]
    matched_gt_inds = jnp.argmax(matching, axis=0)  # [N]
    return matched_gt_inds, fg_mask, matching


def setup_inputs(seed: int = 0) -> dict:
    key = jax.random.key(seed)
    k1, k2, k3, k4 = jax.random.split(key, 4)
    preds = jax.random.normal(k1, (16, 3, 80, 80, 5 + NUM_CLASSES), dtype=jnp.float32)
    xy = jax.random.uniform(k2, (16, 50, 2), minval=-2.0, maxval=1.0)
    wh = jax.random.uniform(k3, (16, 50, 2), minval=0.5, maxval=2.5)
    gt_boxes = jnp.concatenate([xy, xy + wh], axis=-1).astype(jnp.float32)
    gt_labels = jax.random.randint(k4, (16, 50), 0, NUM_CLASSES)
    return {"preds": preds, "gt_boxes": gt_boxes, "gt_labels": gt_labels}


def reference(preds, gt_boxes, gt_labels):
    B = preds.shape[0]
    num_classes = NUM_CLASSES
    box_loss = 0.0
    obj_loss = 0.0
    cls_loss = 0.0
    for b in range(B):
        pred = preds[b, 0].reshape(-1, 5 + num_classes)
        boxes_pred = pred[:, :4]
        obj_pred = pred[:, 4]
        cls_pred = pred[:, 5:]
        gtb = gt_boxes[b]
        gtl = gt_labels[b]
        matched_gt_inds, fg_mask, _ = simota_matching(boxes_pred, cls_pred, gtb, gtl, num_classes)
        mask = fg_mask.astype(jnp.float32)
        num_fg = jnp.maximum(mask.sum(), 1.0)
        assigned_boxes = gtb[matched_gt_inds]
        assigned_labels = gtl[matched_gt_inds]
        sl1 = smooth_l1(boxes_pred - assigned_boxes).sum(axis=1)
        box_loss = box_loss + (mask * sl1).sum() / (num_fg * 4.0)
        iou_t = jax.lax.stop_gradient(bbox_iou_elementwise(boxes_pred, assigned_boxes))
        s = jax.nn.sigmoid(obj_pred)
        obj_loss = obj_loss + (mask * bce_with_logits(s, iou_t)).sum() / num_fg
        cls_t = jax.nn.one_hot(assigned_labels, num_classes)
        cls_loss = cls_loss + (mask[:, None] * bce_with_logits(cls_pred, cls_t)).sum() / (num_fg * num_classes)
    total = (LAMBDA_BOX * box_loss + LAMBDA_OBJ * obj_loss + LAMBDA_CLS * cls_loss) / B
    return (total, box_loss / B, obj_loss / B, cls_loss / B)

if __name__ == "__main__":
    import jax
    _d = setup_inputs()
    print(jax.jit(kernel)(*tuple(_d.values())))

</pallas_src>

<mosaic_0001>
module attributes {stable_mosaic.version = 14 : i64} {
  func.func @_loss_kernel(%arg0: i32, %arg1: memref<1x85x6400xf32, #tpu.memory_space<vmem>>, %arg2: memref<1x50x4xf32, #tpu.memory_space<vmem>>, %arg3: memref<1x50x80xf32, #tpu.memory_space<vmem>>, %arg4: memref<1x1x1xf32, #tpu.memory_space<vmem>>, %arg5: memref<1x1x1xf32, #tpu.memory_space<vmem>>, %arg6: memref<1x1x1xf32, #tpu.memory_space<vmem>>) attributes {dimension_semantics = [#tpu.dimension_semantics<parallel>], iteration_bounds = array<i64: 16>, scalar_prefetch = 0 : i64, scratch_operands = 0 : i64, tpu.core_type = #tpu.core_type<tc>, window_params = [{transform_indices = @transform_0, window_bounds = array<i64: 1, 85, 6400>}, {transform_indices = @transform_1, window_bounds = array<i64: 1, 50, 4>}, {transform_indices = @transform_2, window_bounds = array<i64: 1, 50, 80>}, {transform_indices = @transform_3, window_bounds = array<i64: 1, 1, 1>}, {transform_indices = @transform_4, window_bounds = array<i64: 1, 1, 1>}, {transform_indices = @transform_5, window_bounds = array<i64: 1, 1, 1>}]} {
    %get3A = arith.constant 0 : index
    %get3A_0 = arith.constant 0 : index
    %get3A_1 = arith.constant 0 : index
    %get3A_2 = vector.load %arg1[%get3A, %get3A_0, %get3A_1] : memref<1x85x6400xf32, #tpu.memory_space<vmem>>, vector<1x85x6400xf32>
    %get3A_3 = vector.shape_cast %get3A_2 : vector<1x85x6400xf32> to vector<85x6400xf32>
    %slice3A = vector.extract_strided_slice %get3A_3 {offsets = [0, 0], sizes = [1, 6400], strides = [1, 1]} : vector<85x6400xf32> to vector<1x6400xf32>
    %slice3A_4 = vector.extract_strided_slice %get3A_3 {offsets = [1, 0], sizes = [1, 6400], strides = [1, 1]} : vector<85x6400xf32> to vector<1x6400xf32>
    %slice3A_5 = vector.extract_strided_slice %get3A_3 {offsets = [2, 0], sizes = [1, 6400], strides = [1, 1]} : vector<85x6400xf32> to vector<1x6400xf32>
    %slice3A_6 = vector.extract_strided_slice %get3A_3 {offsets = [3, 0], sizes = [1, 6400], strides = [1, 1]} : vector<85x6400xf32> to vector<1x6400xf32>
    %slice3A_7 = vector.extract_strided_slice %get3A_3 {offsets = [4, 0], sizes = [1, 6400], strides = [1, 1]} : vector<85x6400xf32> to vector<1x6400xf32>
    %slice3A_8 = vector.extract_strided_slice %get3A_3 {offsets = [5, 0], sizes = [80, 6400], strides = [1, 1]} : vector<85x6400xf32> to vector<80x6400xf32>
    %get3A_9 = arith.constant 0 : index
    %get3A_10 = arith.constant 0 : index
    %get3A_11 = arith.constant 0 : index
    %get3A_12 = vector.load %arg2[%get3A_9, %get3A_10, %get3A_11] : memref<1x50x4xf32, #tpu.memory_space<vmem>>, vector<1x50x4xf32>
    %get3A_13 = vector.shape_cast %get3A_12 : vector<1x50x4xf32> to vector<50x4xf32>
    %slice3A_14 = vector.extract_strided_slice %get3A_13 {offsets = [0, 0], sizes = [50, 1], strides = [1, 1]} : vector<50x4xf32> to vector<50x1xf32>
    %slice3A_15 = vector.extract_strided_slice %get3A_13 {offsets = [0, 1], sizes = [50, 1], strides = [1, 1]} : vector<50x4xf32> to vector<50x1xf32>
    %slice3A_16 = vector.extract_strided_slice %get3A_13 {offsets = [0, 2], sizes = [50, 1], strides = [1, 1]} : vector<50x4xf32> to vector<50x1xf32>
    %slice3A_17 = vector.extract_strided_slice %get3A_13 {offsets = [0, 3], sizes = [50, 1], strides = [1, 1]} : vector<50x4xf32> to vector<50x1xf32>
    %max3A = vector.broadcast %slice3A_14 : vector<50x1xf32> to vector<50x6400xf32>
    %max3A_18 = vector.broadcast %slice3A : vector<1x6400xf32> to vector<50x6400xf32>
    %max3A_19 = arith.maximumf %max3A, %max3A_18 : vector<50x6400xf32>
    %max3A_20 = vector.broadcast %slice3A_15 : vector<50x1xf32> to vector<50x6400xf32>
    %max3A_21 = vector.broadcast %slice3A_4 : vector<1x6400xf32> to vector<50x6400xf32>
    %max3A_22 = arith.maximumf %max3A_20, %max3A_21 : vector<50x6400xf32>
    %min3A = vector.broadcast %slice3A_16 : vector<50x1xf32> to vector<50x6400xf32>
    %min3A_23 = vector.broadcast %slice3A_5 : vector<1x6400xf32> to vector<50x6400xf32>
    %min3A_24 = arith.minimumf %min3A, %min3A_23 : vector<50x6400xf32>
    %min3A_25 = vector.broadcast %slice3A_17 : vector<50x1xf32> to vector<50x6400xf32>
    %min3A_26 = vector.broadcast %slice3A_6 : vector<1x6400xf32> to vector<50x6400xf32>
    %min3A_27 = arith.minimumf %min3A_25, %min3A_26 : vector<50x6400xf32>
    %sub3A = arith.subf %min3A_24, %max3A_19 : vector<50x6400xf32>
    %jit3A = arith.constant 0.000000e+00 : f32
    %max3A_28 = vector.broadcast %jit3A : f32 to vector<50x6400xf32>
    %max3A_29 = arith.maximumf %max3A_28, %sub3A : vector<50x6400xf32>
    %sub3A_30 = arith.subf %min3A_27, %max3A_22 : vector<50x6400xf32>
    %jit3A_31 = arith.constant 0.000000e+00 : f32
    %max3A_32 = vector.broadcast %jit3A_31 : f32 to vector<50x6400xf32>
    %max3A_33 = arith.maximumf %max3A_32, %sub3A_30 : vector<50x6400xf32>
    %mul3A = arith.mulf %max3A_29, %max3A_33 : vector<50x6400xf32>
    %sub3A_34 = arith.subf %slice3A_16, %slice3A_14 : vector<50x1xf32>
    %sub3A_35 = arith.subf %slice3A_17, %slice3A_15 : vector<50x1xf32>
    %mul3A_36 = arith.mulf %sub3A_34, %sub3A_35 : vector<50x1xf32>
    %sub3A_37 = arith.subf %slice3A_5, %slice3A : vector<1x6400xf32>
    %sub3A_38 = arith.subf %slice3A_6, %slice3A_4 : vector<1x6400xf32>
    %mul3A_39 = arith.mulf %sub3A_37, %sub3A_38 : vector<1x6400xf32>
    %add3A = vector.broadcast %mul3A_36 : vector<50x1xf32> to vector<50x6400xf32>
    %add3A_40 = vector.broadcast %mul3A_39 : vector<1x6400xf32> to vector<50x6400xf32>
    %add3A_41 = arith.addf %add3A, %add3A_40 : vector<50x6400xf32>
    %sub3A_42 = arith.subf %add3A_41, %mul3A : vector<50x6400xf32>
    %add3A_43 = arith.constant 9.99999993E-9 : f32
    %add3A_44 = vector.broadcast %add3A_43 : f32 to vector<50x6400xf32>
    %add3A_45 = arith.addf %sub3A_42, %add3A_44 : vector<50x6400xf32>
    %div3A = arith.divf %mul3A, %add3A_45 : vector<50x6400xf32>
    %jit3A_46 = arith.constant 0.000000e+00 : f32
    %jit3A_47 = arith.constant 1.000000e+00 : f32
    %max3A_48 = vector.broadcast %jit3A_46 : f32 to vector<50x6400xf32>
    %max3A_49 = arith.maximumf %max3A_48, %div3A : vector<50x6400xf32>
    %min3A_50 = vector.broadcast %jit3A_47 : f32 to vector<50x6400xf32>
    %min3A_51 = arith.minimumf %min3A_50, %max3A_49 : vector<50x6400xf32>
    %logistic3A = arith.negf %slice3A_8 : vector<80x6400xf32>
    %logistic3A_52 = math.exp %logistic3A : vector<80x6400xf32>
    %logistic3A_53 = arith.constant 1.000000e+00 : f32
    %logistic3A_54 = vector.broadcast %logistic3A_53 : f32 to vector<80x6400xf32>
    %logistic3A_55 = arith.addf %logistic3A_54, %logistic3A_52 : vector<80x6400xf32>
    %logistic3A_56 = arith.divf %logistic3A_54, %logistic3A_55 : vector<80x6400xf32>
    %add3A_57 = arith.constant 9.99999993E-9 : f32
    %add3A_58 = vector.broadcast %add3A_57 : f32 to vector<80x6400xf32>
    %add3A_59 = arith.addf %logistic3A_56, %add3A_58 : vector<80x6400xf32>
    %log3A = math.log %add3A_59 : vector<80x6400xf32>
    %sub3A_60 = arith.constant 1.000000e+00 : f32
    %sub3A_61 = vector.broadcast %sub3A_60 : f32 to vector<80x6400xf32>
    %sub3A_62 = arith.subf %sub3A_61, %logistic3A_56 : vector<80x6400xf32>
    %add3A_63 = arith.constant 9.99999993E-9 : f32
    %add3A_64 = vector.broadcast %add3A_63 : f32 to vector<80x6400xf32>
    %add3A_65 = arith.addf %sub3A_62, %add3A_64 : vector<80x6400xf32>
    %log3A_66 = math.log %add3A_65 : vector<80x6400xf32>
    %get3A_67 = arith.constant 0 : index
    %get3A_68 = arith.constant 0 : index
    %get3A_69 = arith.constant 0 : index
    %get3A_70 = vector.load %arg3[%get3A_67, %get3A_68, %get3A_69] : memref<1x50x80xf32, #tpu.memory_space<vmem>>, vector<1x50x80xf32>
    %get3A_71 = vector.shape_cast %get3A_70 : vector<1x50x80xf32> to vector<50x80xf32>
    %dot_general3A = arith.constant dense<0.000000e+00> : vector<50x6400xf32>
    %dot_general3A_72 = tpu.matmul %get3A_71, %log3A, %dot_general3A {dimension_numbers = #tpu.dot_dimension_numbers<[1], [0], [0], [1], [0, 0, 1, 1], [], []>, transpose_lhs_hint = false} : vector<50x80xf32>, vector<80x6400xf32>, vector<50x6400xf32> -> vector<50x6400xf32>
    %sub3A_73 = arith.constant 1.000000e+00 : f32
    %sub3A_74 = vector.broadcast %sub3A_73 : f32 to vector<50x80xf32>
    %sub3A_75 = arith.subf %sub3A_74, %get3A_71 : vector<50x80xf32>
    %dot_general3A_76 = arith.constant dense<0.000000e+00> : vector<50x6400xf32>
    %dot_general3A_77 = tpu.matmul %sub3A_75, %log3A_66, %dot_general3A_76 {dimension_numbers = #tpu.dot_dimension_numbers<[1], [0], [0], [1], [0, 0, 1, 1], [], []>, transpose_lhs_hint = false} : vector<50x80xf32>, vector<80x6400xf32>, vector<50x6400xf32> -> vector<50x6400xf32>
    %add3A_78 = arith.addf %dot_general3A_72, %dot_general3A_77 : vector<50x6400xf32>
    %neg3A = arith.constant 0.000000e+00 : f32
    %neg3A_79 = vector.broadcast %neg3A : f32 to vector<50x6400xf32>
    %neg3A_80 = arith.subf %neg3A_79, %add3A_78 : vector<50x6400xf32>
    %add3A_81 = arith.constant 9.99999993E-9 : f32
    %add3A_82 = vector.broadcast %add3A_81 : f32 to vector<50x6400xf32>
    %add3A_83 = arith.addf %min3A_51, %add3A_82 : vector<50x6400xf32>
    %log3A_84 = math.log %add3A_83 : vector<50x6400xf32>
    %mul3A_85 = arith.constant 3.000000e+00 : f32
    %mul3A_86 = vector.broadcast %mul3A_85 : f32 to vector<50x6400xf32>
    %mul3A_87 = arith.mulf %mul3A_86, %log3A_84 : vector<50x6400xf32>
    %sub3A_88 = arith.subf %neg3A_80, %mul3A_87 : vector<50x6400xf32>
    %broadcast_in_dim3A = arith.constant 0.000000e+00 : f32
    %broadcast_in_dim3A_89 = vector.broadcast %broadcast_in_dim3A : f32 to vector<50x1xf32>
    %reduce_max3A = arith.constant dense<0xFF800000> : vector<50xf32>
    %reduce_max3A_90 = vector.multi_reduction <maximumf>, %min3A_51, %reduce_max3A [1] : vector<50x6400xf32> to vector<50xf32>
    %broadcast_in_dim3A_91 = vector.shape_cast %reduce_max3A_90 : vector<50xf32> to vector<50x1xf32>
    %max3A_92 = arith.constant 0.000000e+00 : f32
    %max3A_93 = vector.broadcast %max3A_92 : f32 to vector<50x1xf32>
    %max3A_94 = arith.maximumf %broadcast_in_dim3A_91, %max3A_93 : vector<50x1xf32>
    %add3A_95 = arith.addf %broadcast_in_dim3A_89, %max3A_94 : vector<50x1xf32>
    %eq3A = vector.broadcast %broadcast_in_dim3A_91 : vector<50x1xf32> to vector<50x6400xf32>
    %eq3A_96 = arith.cmpf oeq, %min3A_51, %eq3A : vector<50x6400xf32>
    %jit3A_97 = arith.constant -1.000000e+00 : f32
    %broadcast_in_dim3A_98 = vector.broadcast %jit3A_97 : f32 to vector<50x6400xf32>
    %select_n3A = arith.select %eq3A_96, %broadcast_in_dim3A_98, %min3A_51 : vector<50x6400xi1>, vector<50x6400xf32>
    %reduce_max3A_99 = arith.constant dense<0xFF800000> : vector<50xf32>
    %reduce_max3A_100 = vector.multi_reduction <maximumf>, %select_n3A, %reduce_max3A_99 [1] : vector<50x6400xf32> to vector<50xf32>
    %broadcast_in_dim3A_101 = vector.shape_cast %reduce_max3A_100 : vector<50xf32> to vector<50x1xf32>
    %max3A_102 = arith.constant 0.000000e+00 : f32
    %max3A_103 = vector.broadcast %max3A_102 : f32 to vector<50x1xf32>
    %max3A_104 = arith.maximumf %broadcast_in_dim3A_101, %max3A_103 : vector<50x1xf32>
    %add3A_105 = arith.addf %add3A_95, %max3A_104 : vector<50x1xf32>
    %eq3A_106 = vector.broadcast %broadcast_in_dim3A_101 : vector<50x1xf32> to vector<50x6400xf32>
    %eq3A_107 = arith.cmpf oeq, %select_n3A, %eq3A_106 : vector<50x6400xf32>
    %jit3A_108 = arith.constant -1.000000e+00 : f32
    %broadcast_in_dim3A_109 = vector.broadcast %jit3A_108 : f32 to vector<50x6400xf32>
    %select_n3A_110 = arith.select %eq3A_107, %broadcast_in_dim3A_109, %select_n3A : vector<50x6400xi1>, vector<50x6400xf32>
    %reduce_max3A_111 = arith.constant dense<0xFF800000> : vector<50xf32>
    %reduce_max3A_112 = vector.multi_reduction <maximumf>, %select_n3A_110, %reduce_max3A_111 [1] : vector<50x6400xf32> to vector<50xf32>
    %broadcast_in_dim3A_113 = vector.shape_cast %reduce_max3A_112 : vector<50xf32> to vector<50x1xf32>
    %max3A_114 = arith.constant 0.000000e+00 : f32
    %max3A_115 = vector.broadcast %max3A_114 : f32 to vector<50x1xf32>
    %max3A_116 = arith.maximumf %broadcast_in_dim3A_113, %max3A_115 : vector<50x1xf32>
    %add3A_117 = arith.addf %add3A_105, %max3A_116 : vector<50x1xf32>
    %eq3A_118 = vector.broadcast %broadcast_in_dim3A_113 : vector<50x1xf32> to vector<50x6400xf32>
    %eq3A_119 = arith.cmpf oeq, %select_n3A_110, %eq3A_118 : vector<50x6400xf32>
    %jit3A_120 = arith.constant -1.000000e+00 : f32
    %broadcast_in_dim3A_121 = vector.broadcast %jit3A_120 : f32 to vector<50x6400xf32>
    %select_n3A_122 = arith.select %eq3A_119, %broadcast_in_dim3A_121, %select_n3A_110 : vector<50x6400xi1>, vector<50x6400xf32>
    %reduce_max3A_123 = arith.constant dense<0xFF800000> : vector<50xf32>
    %reduce_max3A_124 = vector.multi_reduction <maximumf>, %select_n3A_122, %reduce_max3A_123 [1] : vector<50x6400xf32> to vector<50xf32>
    %broadcast_in_dim3A_125 = vector.shape_cast %reduce_max3A_124 : vector<50xf32> to vector<50x1xf32>
    %max3A_126 = arith.constant 0.000000e+00 : f32
    %max3A_127 = vector.broadcast %max3A_126 : f32 to vector<50x1xf32>
    %max3A_128 = arith.maximumf %broadcast_in_dim3A_125, %max3A_127 : vector<50x1xf32>
    %add3A_129 = arith.addf %add3A_117, %max3A_128 : vector<50x1xf32>
    %eq3A_130 = vector.broadcast %broadcast_in_dim3A_125 : vector<50x1xf32> to vector<50x6400xf32>
    %eq3A_131 = arith.cmpf oeq, %select_n3A_122, %eq3A_130 : vector<50x6400xf32>
    %jit3A_132 = arith.constant -1.000000e+00 : f32
    %broadcast_in_dim3A_133 = vector.broadcast %jit3A_132 : f32 to vector<50x6400xf32>
    %select_n3A_134 = arith.select %eq3A_131, %broadcast_in_dim3A_133, %select_n3A_122 : vector<50x6400xi1>, vector<50x6400xf32>
    %reduce_max3A_135 = arith.constant dense<0xFF800000> : vector<50xf32>
    %reduce_max3A_136 = vector.multi_reduction <maximumf>, %select_n3A_134, %reduce_max3A_135 [1] : vector<50x6400xf32> to vector<50xf32>
    %broadcast_in_dim3A_137 = vector.shape_cast %reduce_max3A_136 : vector<50xf32> to vector<50x1xf32>
    %max3A_138 = arith.constant 0.000000e+00 : f32
    %max3A_139 = vector.broadcast %max3A_138 : f32 to vector<50x1xf32>
    %max3A_140 = arith.maximumf %broadcast_in_dim3A_137, %max3A_139 : vector<50x1xf32>
    %add3A_141 = arith.addf %add3A_129, %max3A_140 : vector<50x1xf32>
    %eq3A_142 = vector.broadcast %broadcast_in_dim3A_137 : vector<50x1xf32> to vector<50x6400xf32>
    %eq3A_143 = arith.cmpf oeq, %select_n3A_134, %eq3A_142 : vector<50x6400xf32>
    %jit3A_144 = arith.constant -1.000000e+00 : f32
    %broadcast_in_dim3A_145 = vector.broadcast %jit3A_144 : f32 to vector<50x6400xf32>
    %select_n3A_146 = arith.select %eq3A_143, %broadcast_in_dim3A_145, %select_n3A_134 : vector<50x6400xi1>, vector<50x6400xf32>
    %reduce_max3A_147 = arith.constant dense<0xFF800000> : vector<50xf32>
    %reduce_max3A_148 = vector.multi_reduction <maximumf>, %select_n3A_146, %reduce_max3A_147 [1] : vector<50x6400xf32> to vector<50xf32>
    %broadcast_in_dim3A_149 = vector.shape_cast %reduce_max3A_148 : vector<50xf32> to vector<50x1xf32>
    %max3A_150 = arith.constant 0.000000e+00 : f32
    %max3A_151 = vector.broadcast %max3A_150 : f32 to vector<50x1xf32>
    %max3A_152 = arith.maximumf %broadcast_in_dim3A_149, %max3A_151 : vector<50x1xf32>
    %add3A_153 = arith.addf %add3A_141, %max3A_152 : vector<50x1xf32>
    %eq3A_154 = vector.broadcast %broadcast_in_dim3A_149 : vector<50x1xf32> to vector<50x6400xf32>
    %eq3A_155 = arith.cmpf oeq, %select_n3A_146, %eq3A_154 : vector<50x6400xf32>
    %jit3A_156 = arith.constant -1.000000e+00 : f32
    %broadcast_in_dim3A_157 = vector.broadcast %jit3A_156 : f32 to vector<50x6400xf32>
    %select_n3A_158 = arith.select %eq3A_155, %broadcast_in_dim3A_157, %select_n3A_146 : vector<50x6400xi1>, vector<50x6400xf32>
    %reduce_max3A_159 = arith.constant dense<0xFF800000> : vector<50xf32>
    %reduce_max3A_160 = vector.multi_reduction <maximumf>, %select_n3A_158, %reduce_max3A_159 [1] : vector<50x6400xf32> to vector<50xf32>
    %broadcast_in_dim3A_161 = vector.shape_cast %reduce_max3A_160 : vector<50xf32> to vector<50x1xf32>
    %max3A_162 = arith.constant 0.000000e+00 : f32
    %max3A_163 = vector.broadcast %max3A_162 : f32 to vector<50x1xf32>
    %max3A_164 = arith.maximumf %broadcast_in_dim3A_161, %max3A_163 : vector<50x1xf32>
    %add3A_165 = arith.addf %add3A_153, %max3A_164 : vector<50x1xf32>
    %eq3A_166 = vector.broadcast %broadcast_in_dim3A_161 : vector<50x1xf32> to vector<50x6400xf32>
    %eq3A_167 = arith.cmpf oeq, %select_n3A_158, %eq3A_166 : vector<50x6400xf32>
    %jit3A_168 = arith.constant -1.000000e+00 : f32
    %broadcast_in_dim3A_169 = vector.broadcast %jit3A_168 : f32 to vector<50x6400xf32>
    %select_n3A_170 = arith.select %eq3A_167, %broadcast_in_dim3A_169, %select_n3A_158 : vector<50x6400xi1>, vector<50x6400xf32>
    %reduce_max3A_171 = arith.constant dense<0xFF800000> : vector<50xf32>
    %reduce_max3A_172 = vector.multi_reduction <maximumf>, %select_n3A_170, %reduce_max3A_171 [1] : vector<50x6400xf32> to vector<50xf32>
    %broadcast_in_dim3A_173 = vector.shape_cast %reduce_max3A_172 : vector<50xf32> to vector<50x1xf32>
    %max3A_174 = arith.constant 0.000000e+00 : f32
    %max3A_175 = vector.broadcast %max3A_174 : f32 to vector<50x1xf32>
    %max3A_176 = arith.maximumf %broadcast_in_dim3A_173, %max3A_175 : vector<50x1xf32>
    %add3A_177 = arith.addf %add3A_165, %max3A_176 : vector<50x1xf32>
    %eq3A_178 = vector.broadcast %broadcast_in_dim3A_173 : vector<50x1xf32> to vector<50x6400xf32>
    %eq3A_179 = arith.cmpf oeq, %select_n3A_170, %eq3A_178 : vector<50x6400xf32>
    %jit3A_180 = arith.constant -1.000000e+00 : f32
    %broadcast_in_dim3A_181 = vector.broadcast %jit3A_180 : f32 to vector<50x6400xf32>
    %select_n3A_182 = arith.select %eq3A_179, %broadcast_in_dim3A_181, %select_n3A_170 : vector<50x6400xi1>, vector<50x6400xf32>
    %reduce_max3A_183 = arith.constant dense<0xFF800000> : vector<50xf32>
    %reduce_max3A_184 = vector.multi_reduction <maximumf>, %select_n3A_182, %reduce_max3A_183 [1] : vector<50x6400xf32> to vector<50xf32>
    %broadcast_in_dim3A_185 = vector.shape_cast %reduce_max3A_184 : vector<50xf32> to vector<50x1xf32>
    %max3A_186 = arith.constant 0.000000e+00 : f32
    %max3A_187 = vector.broadcast %max3A_186 : f32 to vector<50x1xf32>
    %max3A_188 = arith.maximumf %broadcast_in_dim3A_185, %max3A_187 : vector<50x1xf32>
    %add3A_189 = arith.addf %add3A_177, %max3A_188 : vector<50x1xf32>
    %eq3A_190 = vector.broadcast %broadcast_in_dim3A_185 : vector<50x1xf32> to vector<50x6400xf32>
    %eq3A_191 = arith.cmpf oeq, %select_n3A_182, %eq3A_190 : vector<50x6400xf32>
    %jit3A_192 = arith.constant -1.000000e+00 : f32
    %broadcast_in_dim3A_193 = vector.broadcast %jit3A_192 : f32 to vector<50x6400xf32>
    %select_n3A_194 = arith.select %eq3A_191, %broadcast_in_dim3A_193, %select_n3A_182 : vector<50x6400xi1>, vector<50x6400xf32>
    %reduce_max3A_195 = arith.constant dense<0xFF800000> : vector<50xf32>
    %reduce_max3A_196 = vector.multi_reduction <maximumf>, %select_n3A_194, %reduce_max3A_195 [1] : vector<50x6400xf32> to vector<50xf32>
    %broadcast_in_dim3A_197 = vector.shape_cast %reduce_max3A_196 : vector<50xf32> to vector<50x1xf32>
    %max3A_198 = arith.constant 0.000000e+00 : f32
    %max3A_199 = vector.broadcast %max3A_198 : f32 to vector<50x1xf32>
    %max3A_200 = arith.maximumf %broadcast_in_dim3A_197, %max3A_199 : vector<50x1xf32>
    %add3A_201 = arith.addf %add3A_189, %max3A_200 : vector<50x1xf32>
    %floor3A = math.floor %add3A_201 : vector<50x1xf32>
    %jit3A_202 = arith.constant 1.000000e+00 : f32
    %jit3A_203 = arith.constant 1.000000e+01 : f32
    %max3A_204 = vector.broadcast %jit3A_202 : f32 to vector<50x1xf32>
    %max3A_205 = arith.maximumf %max3A_204, %floor3A : vector<50x1xf32>
    %min3A_206 = vector.broadcast %jit3A_203 : f32 to vector<50x1xf32>
    %min3A_207 = arith.minimumf %min3A_206, %max3A_205 : vector<50x1xf32>
    %reduce_max3A_208 = vector.shape_cast %min3A_207 : vector<50x1xf32> to vector<1x50x1xf32>
    %reduce_max3A_209 = arith.constant dense<0xFF800000> : vector<1xf32>
    %reduce_max3A_210 = vector.multi_reduction <maximumf>, %reduce_max3A_208, %reduce_max3A_209 [1, 2] : vector<1x50x1xf32> to vector<1xf32>
    %reduce_max3A_211 = vector.shape_cast %reduce_max3A_210 : vector<1xf32> to vector<1x1x1xf32>
    %reduce_max3A_212 = vector.extract %reduce_max3A_211[0, 0, 0] : f32 from vector<1x1x1xf32>
    %convert_element_type3A = arith.fptosi %reduce_max3A_212 : f32 to i32
    %broadcast_in_dim3A_213 = arith.constant 3.000000e+38 : f32
    %broadcast_in_dim3A_214 = vector.broadcast %broadcast_in_dim3A_213 : f32 to vector<50x1xf32>
    %while3A = arith.constant 0 : i32
    %while3A_215 = arith.subi %convert_element_type3A, %while3A : i32
    %while3A_216 = arith.addi %while3A, %while3A_215 : i32
    %while3A_217 = arith.constant 1 : i32
    %while3A_218 = arith.divsi %while3A_215, %while3A_217 : i32
    %while3A_219 = arith.muli %while3A_218, %while3A_217 : i32
    %while3A_220 = arith.addi %while3A, %while3A_219 : i32
    %while3A_221 = arith.constant 1 : i32
    %while3A_222:2 = scf.for %while3A_430 = %while3A to %while3A_220 step %while3A_221 iter_args(%while3A_431 = %broadcast_in_dim3A_214, %while3A_432 = %sub3A_88) -> (vector<50x1xf32>, vector<50x6400xf32>)  : i32 {
      %reduce_min3A_433 = arith.constant dense<0x7F800000> : vector<50xf32>
      %reduce_min3A_434 = vector.multi_reduction <minimumf>, %while3A_432, %reduce_min3A_433 [1] : vector<50x6400xf32> to vector<50xf32>
      %broadcast_in_dim3A_435 = vector.shape_cast %reduce_min3A_434 : vector<50xf32> to vector<50x1xf32>
      %convert_element_type3A_436 = arith.sitofp %while3A_430 : i32 to f32
      %lt3A_437 = vector.broadcast %convert_element_type3A_436 : f32 to vector<50x1xf32>
      %lt3A_438 = arith.cmpf olt, %lt3A_437, %min3A_207 : vector<50x1xf32>
      %select_n3A_439 = arith.select %lt3A_438, %broadcast_in_dim3A_435, %while3A_431 : vector<50x1xi1>, vector<50x1xf32>
      %eq3A_440 = vector.broadcast %broadcast_in_dim3A_435 : vector<50x1xf32> to vector<50x6400xf32>
      %eq3A_441 = arith.cmpf oeq, %while3A_432, %eq3A_440 : vector<50x6400xf32>
      %jit3A_442 = arith.constant 3.000000e+38 : f32
      %broadcast_in_dim3A_443 = vector.broadcast %jit3A_442 : f32 to vector<50x6400xf32>
      %select_n3A_444 = arith.select %eq3A_441, %broadcast_in_dim3A_443, %while3A_432 : vector<50x6400xi1>, vector<50x6400xf32>
      scf.yield %select_n3A_439, %select_n3A_444 : vector<50x1xf32>, vector<50x6400xf32>
    }
    %while3A_223 = arith.constant 1 : i32
    %while3A_224:2 = scf.for %while3A_430 = %while3A_220 to %while3A_216 step %while3A_223 iter_args(%while3A_431 = %while3A_222#0, %while3A_432 = %while3A_222#1) -> (vector<50x1xf32>, vector<50x6400xf32>)  : i32 {
      %reduce_min3A_433 = arith.constant dense<0x7F800000> : vector<50xf32>
      %reduce_min3A_434 = vector.multi_reduction <minimumf>, %while3A_432, %reduce_min3A_433 [1] : vector<50x6400xf32> to vector<50xf32>
      %broadcast_in_dim3A_435 = vector.shape_cast %reduce_min3A_434 : vector<50xf32> to vector<50x1xf32>
      %convert_element_type3A_436 = arith.sitofp %while3A_430 : i32 to f32
      %lt3A_437 = vector.broadcast %convert_element_type3A_436 : f32 to vector<50x1xf32>
      %lt3A_438 = arith.cmpf olt, %lt3A_437, %min3A_207 : vector<50x1xf32>
      %select_n3A_439 = arith.select %lt3A_438, %broadcast_in_dim3A_435, %while3A_431 : vector<50x1xi1>, vector<50x1xf32>
      %eq3A_440 = vector.broadcast %broadcast_in_dim3A_435 : vector<50x1xf32> to vector<50x6400xf32>
      %eq3A_441 = arith.cmpf oeq, %while3A_432, %eq3A_440 : vector<50x6400xf32>
      %jit3A_442 = arith.constant 3.000000e+38 : f32
      %broadcast_in_dim3A_443 = vector.broadcast %jit3A_442 : f32 to vector<50x6400xf32>
      %select_n3A_444 = arith.select %eq3A_441, %broadcast_in_dim3A_443, %while3A_432 : vector<50x6400xi1>, vector<50x6400xf32>
      scf.yield %select_n3A_439, %select_n3A_444 : vector<50x1xf32>, vector<50x6400xf32>
    }
    %le3A = vector.broadcast %while3A_224#0 : vector<50x1xf32> to vector<50x6400xf32>
    %le3A_225 = arith.cmpf ole, %sub3A_88, %le3A : vector<50x6400xf32>
    %convert_element_type3A_226 = arith.extui %le3A_225 : vector<50x6400xi1> to vector<50x6400xi32>
    %convert_element_type3A_227 = arith.sitofp %convert_element_type3A_226 : vector<50x6400xi32> to vector<50x6400xf32>
    %reduce_sum3A = arith.constant dense<0.000000e+00> : vector<6400xf32>
    %reduce_sum3A_228 = vector.multi_reduction <add>, %convert_element_type3A_227, %reduce_sum3A [0] : vector<50x6400xf32> to vector<6400xf32>
    %broadcast_in_dim3A_229 = vector.shape_cast %reduce_sum3A_228 : vector<6400xf32> to vector<1x6400xf32>
    %iota3A = tpu.iota {dimensions = array<i32: 0>} : vector<50x6400xi32>
    %reduce_min3A = arith.constant dense<0x7F800000> : vector<6400xf32>
    %reduce_min3A_230 = vector.multi_reduction <minimumf>, %sub3A_88, %reduce_min3A [0] : vector<50x6400xf32> to vector<6400xf32>
    %broadcast_in_dim3A_231 = vector.shape_cast %reduce_min3A_230 : vector<6400xf32> to vector<1x6400xf32>
    %eq3A_232 = vector.broadcast %broadcast_in_dim3A_231 : vector<1x6400xf32> to vector<50x6400xf32>
    %eq3A_233 = arith.cmpf oeq, %sub3A_88, %eq3A_232 : vector<50x6400xf32>
    %jit3A_234 = arith.constant 50 : i32
    %broadcast_in_dim3A_235 = vector.broadcast %jit3A_234 : i32 to vector<50x6400xi32>
    %select_n3A_236 = arith.select %eq3A_233, %iota3A, %broadcast_in_dim3A_235 : vector<50x6400xi1>, vector<50x6400xi32>
    %reduce_min3A_237 = arith.constant dense<2147483647> : vector<6400xi32>
    %reduce_min3A_238 = vector.multi_reduction <minsi>, %select_n3A_236, %reduce_min3A_237 [0] : vector<50x6400xi32> to vector<6400xi32>
    %broadcast_in_dim3A_239 = vector.shape_cast %reduce_min3A_238 : vector<6400xi32> to vector<1x6400xi32>
    %eq3A_240 = vector.broadcast %broadcast_in_dim3A_239 : vector<1x6400xi32> to vector<50x6400xi32>
    %eq3A_241 = arith.cmpi eq, %iota3A, %eq3A_240 : vector<50x6400xi32>
    %convert_element_type3A_242 = arith.extui %eq3A_241 : vector<50x6400xi1> to vector<50x6400xi32>
    %convert_element_type3A_243 = arith.sitofp %convert_element_type3A_242 : vector<50x6400xi32> to vector<50x6400xf32>
    %gt3A = arith.constant 1.000000e+00 : f32
    %gt3A_244 = vector.broadcast %gt3A : f32 to vector<1x6400xf32>
    %gt3A_245 = arith.cmpf ogt, %broadcast_in_dim3A_229, %gt3A_244 : vector<1x6400xf32>
    %broadcast_in_dim3A_246 = vector.shape_cast %gt3A_245 : vector<1x6400xi1> to vector<1x6400xi1>
    %broadcast_in_dim3A_247 = vector.broadcast %broadcast_in_dim3A_246 : vector<1x6400xi1> to vector<50x6400xi1>
    %select_n3A_248 = arith.select %broadcast_in_dim3A_247, %convert_element_type3A_243, %convert_element_type3A_227 : vector<50x6400xi1>, vector<50x6400xf32>
    %gt3A_249 = arith.constant 0.000000e+00 : f32
    %gt3A_250 = vector.broadcast %gt3A_249 : f32 to vector<1x6400xf32>
    %gt3A_251 = arith.cmpf ogt, %broadcast_in_dim3A_229, %gt3A_250 : vector<1x6400xf32>
    %convert_element_type3A_252 = arith.extui %gt3A_251 : vector<1x6400xi1> to vector<1x6400xi32>
    %convert_element_type3A_253 = arith.sitofp %convert_element_type3A_252 : vector<1x6400xi32> to vector<1x6400xf32>
    %reduce_sum3A_254 = vector.shape_cast %convert_element_type3A_253 : vector<1x6400xf32> to vector<1x1x6400xf32>
    %reduce_sum3A_255 = arith.constant dense<0.000000e+00> : vector<1xf32>
    %reduce_sum3A_256 = vector.multi_reduction <add>, %reduce_sum3A_254, %reduce_sum3A_255 [1, 2] : vector<1x1x6400xf32> to vector<1xf32>
    %reduce_sum3A_257 = vector.shape_cast %reduce_sum3A_256 : vector<1xf32> to vector<1x1x1xf32>
    %reduce_sum3A_258 = vector.extract %reduce_sum3A_257[0, 0, 0] : f32 from vector<1x1x1xf32>
    %max3A_259 = arith.constant 1.000000e+00 : f32
    %max3A_260 = arith.maximumf %reduce_sum3A_258, %max3A_259 : f32
    %mul3A_261 = vector.broadcast %slice3A_14 : vector<50x1xf32> to vector<50x6400xf32>
    %mul3A_262 = arith.mulf %select_n3A_248, %mul3A_261 : vector<50x6400xf32>
    %reduce_sum3A_263 = arith.constant dense<0.000000e+00> : vector<6400xf32>
    %reduce_sum3A_264 = vector.multi_reduction <add>, %mul3A_262, %reduce_sum3A_263 [0] : vector<50x6400xf32> to vector<6400xf32>
    %broadcast_in_dim3A_265 = vector.shape_cast %reduce_sum3A_264 : vector<6400xf32> to vector<1x6400xf32>
    %mul3A_266 = vector.broadcast %slice3A_15 : vector<50x1xf32> to vector<50x6400xf32>
    %mul3A_267 = arith.mulf %select_n3A_248, %mul3A_266 : vector<50x6400xf32>
    %reduce_sum3A_268 = arith.constant dense<0.000000e+00> : vector<6400xf32>
    %reduce_sum3A_269 = vector.multi_reduction <add>, %mul3A_267, %reduce_sum3A_268 [0] : vector<50x6400xf32> to vector<6400xf32>
    %broadcast_in_dim3A_270 = vector.shape_cast %reduce_sum3A_269 : vector<6400xf32> to vector<1x6400xf32>
    %mul3A_271 = vector.broadcast %slice3A_16 : vector<50x1xf32> to vector<50x6400xf32>
    %mul3A_272 = arith.mulf %select_n3A_248, %mul3A_271 : vector<50x6400xf32>
    %reduce_sum3A_273 = arith.constant dense<0.000000e+00> : vector<6400xf32>
    %reduce_sum3A_274 = vector.multi_reduction <add>, %mul3A_272, %reduce_sum3A_273 [0] : vector<50x6400xf32> to vector<6400xf32>
    %broadcast_in_dim3A_275 = vector.shape_cast %reduce_sum3A_274 : vector<6400xf32> to vector<1x6400xf32>
    %mul3A_276 = vector.broadcast %slice3A_17 : vector<50x1xf32> to vector<50x6400xf32>
    %mul3A_277 = arith.mulf %select_n3A_248, %mul3A_276 : vector<50x6400xf32>
    %reduce_sum3A_278 = arith.constant dense<0.000000e+00> : vector<6400xf32>
    %reduce_sum3A_279 = vector.multi_reduction <add>, %mul3A_277, %reduce_sum3A_278 [0] : vector<50x6400xf32> to vector<6400xf32>
    %broadcast_in_dim3A_280 = vector.shape_cast %reduce_sum3A_279 : vector<6400xf32> to vector<1x6400xf32>
    %sub3A_281 = arith.subf %slice3A, %broadcast_in_dim3A_265 : vector<1x6400xf32>
    %abs3A = math.absf %sub3A_281 : vector<1x6400xf32>
    %lt3A = arith.constant 1.000000e+00 : f32
    %lt3A_282 = vector.broadcast %lt3A : f32 to vector<1x6400xf32>
    %lt3A_283 = arith.cmpf olt, %abs3A, %lt3A_282 : vector<1x6400xf32>
    %mul3A_284 = arith.constant 5.000000e-01 : f32
    %mul3A_285 = vector.broadcast %mul3A_284 : f32 to vector<1x6400xf32>
    %mul3A_286 = arith.mulf %mul3A_285, %abs3A : vector<1x6400xf32>
    %mul3A_287 = arith.mulf %mul3A_286, %abs3A : vector<1x6400xf32>
    %sub3A_288 = arith.constant 5.000000e-01 : f32
    %sub3A_289 = vector.broadcast %sub3A_288 : f32 to vector<1x6400xf32>
    %sub3A_290 = arith.subf %abs3A, %sub3A_289 : vector<1x6400xf32>
    %select_n3A_291 = arith.select %lt3A_283, %mul3A_287, %sub3A_290 : vector<1x6400xi1>, vector<1x6400xf32>
    %sub3A_292 = arith.subf %slice3A_4, %broadcast_in_dim3A_270 : vector<1x6400xf32>
    %abs3A_293 = math.absf %sub3A_292 : vector<1x6400xf32>
    %lt3A_294 = arith.constant 1.000000e+00 : f32
    %lt3A_295 = vector.broadcast %lt3A_294 : f32 to vector<1x6400xf32>
    %lt3A_296 = arith.cmpf olt, %abs3A_293, %lt3A_295 : vector<1x6400xf32>
    %mul3A_297 = arith.constant 5.000000e-01 : f32
    %mul3A_298 = vector.broadcast %mul3A_297 : f32 to vector<1x6400xf32>
    %mul3A_299 = arith.mulf %mul3A_298, %abs3A_293 : vector<1x6400xf32>
    %mul3A_300 = arith.mulf %mul3A_299, %abs3A_293 : vector<1x6400xf32>
    %sub3A_301 = arith.constant 5.000000e-01 : f32
    %sub3A_302 = vector.broadcast %sub3A_301 : f32 to vector<1x6400xf32>
    %sub3A_303 = arith.subf %abs3A_293, %sub3A_302 : vector<1x6400xf32>
    %select_n3A_304 = arith.select %lt3A_296, %mul3A_300, %sub3A_303 : vector<1x6400xi1>, vector<1x6400xf32>
    %add3A_305 = arith.addf %select_n3A_291, %select_n3A_304 : vector<1x6400xf32>
    %sub3A_306 = arith.subf %slice3A_5, %broadcast_in_dim3A_275 : vector<1x6400xf32>
    %abs3A_307 = math.absf %sub3A_306 : vector<1x6400xf32>
    %lt3A_308 = arith.constant 1.000000e+00 : f32
    %lt3A_309 = vector.broadcast %lt3A_308 : f32 to vector<1x6400xf32>
    %lt3A_310 = arith.cmpf olt, %abs3A_307, %lt3A_309 : vector<1x6400xf32>
    %mul3A_311 = arith.constant 5.000000e-01 : f32
    %mul3A_312 = vector.broadcast %mul3A_311 : f32 to vector<1x6400xf32>
    %mul3A_313 = arith.mulf %mul3A_312, %abs3A_307 : vector<1x6400xf32>
    %mul3A_314 = arith.mulf %mul3A_313, %abs3A_307 : vector<1x6400xf32>
    %sub3A_315 = arith.constant 5.000000e-01 : f32
    %sub3A_316 = vector.broadcast %sub3A_315 : f32 to vector<1x6400xf32>
    %sub3A_317 = arith.subf %abs3A_307, %sub3A_316 : vector<1x6400xf32>
    %select_n3A_318 = arith.select %lt3A_310, %mul3A_314, %sub3A_317 : vector<1x6400xi1>, vector<1x6400xf32>
    %add3A_319 = arith.addf %add3A_305, %select_n3A_318 : vector<1x6400xf32>
    %sub3A_320 = arith.subf %slice3A_6, %broadcast_in_dim3A_280 : vector<1x6400xf32>
    %abs3A_321 = math.absf %sub3A_320 : vector<1x6400xf32>
    %lt3A_322 = arith.constant 1.000000e+00 : f32
    %lt3A_323 = vector.broadcast %lt3A_322 : f32 to vector<1x6400xf32>
    %lt3A_324 = arith.cmpf olt, %abs3A_321, %lt3A_323 : vector<1x6400xf32>
    %mul3A_325 = arith.constant 5.000000e-01 : f32
    %mul3A_326 = vector.broadcast %mul3A_325 : f32 to vector<1x6400xf32>
    %mul3A_327 = arith.mulf %mul3A_326, %abs3A_321 : vector<1x6400xf32>
    %mul3A_328 = arith.mulf %mul3A_327, %abs3A_321 : vector<1x6400xf32>
    %sub3A_329 = arith.constant 5.000000e-01 : f32
    %sub3A_330 = vector.broadcast %sub3A_329 : f32 to vector<1x6400xf32>
    %sub3A_331 = arith.subf %abs3A_321, %sub3A_330 : vector<1x6400xf32>
    %select_n3A_332 = arith.select %lt3A_324, %mul3A_328, %sub3A_331 : vector<1x6400xi1>, vector<1x6400xf32>
    %add3A_333 = arith.addf %add3A_319, %select_n3A_332 : vector<1x6400xf32>
    %mul3A_334 = arith.mulf %convert_element_type3A_253, %add3A_333 : vector<1x6400xf32>
    %reduce_sum3A_335 = vector.shape_cast %mul3A_334 : vector<1x6400xf32> to vector<1x1x6400xf32>
    %reduce_sum3A_336 = arith.constant dense<0.000000e+00> : vector<1xf32>
    %reduce_sum3A_337 = vector.multi_reduction <add>, %reduce_sum3A_335, %reduce_sum3A_336 [1, 2] : vector<1x1x6400xf32> to vector<1xf32>
    %reduce_sum3A_338 = vector.shape_cast %reduce_sum3A_337 : vector<1xf32> to vector<1x1x1xf32>
    %reduce_sum3A_339 = vector.extract %reduce_sum3A_338[0, 0, 0] : f32 from vector<1x1x1xf32>
    %mul3A_340 = arith.constant 4.000000e+00 : f32
    %mul3A_341 = arith.mulf %max3A_260, %mul3A_340 : f32
    %div3A_342 = arith.divf %reduce_sum3A_339, %mul3A_341 : f32
    %max3A_343 = arith.maximumf %slice3A, %broadcast_in_dim3A_265 : vector<1x6400xf32>
    %max3A_344 = arith.maximumf %slice3A_4, %broadcast_in_dim3A_270 : vector<1x6400xf32>
    %min3A_345 = arith.minimumf %slice3A_5, %broadcast_in_dim3A_275 : vector<1x6400xf32>
    %min3A_346 = arith.minimumf %slice3A_6, %broadcast_in_dim3A_280 : vector<1x6400xf32>
    %sub3A_347 = arith.subf %min3A_345, %max3A_343 : vector<1x6400xf32>
    %jit3A_348 = arith.constant 0.000000e+00 : f32
    %max3A_349 = vector.broadcast %jit3A_348 : f32 to vector<1x6400xf32>
    %max3A_350 = arith.maximumf %max3A_349, %sub3A_347 : vector<1x6400xf32>
    %sub3A_351 = arith.subf %min3A_346, %max3A_344 : vector<1x6400xf32>
    %jit3A_352 = arith.constant 0.000000e+00 : f32
    %max3A_353 = vector.broadcast %jit3A_352 : f32 to vector<1x6400xf32>
    %max3A_354 = arith.maximumf %max3A_353, %sub3A_351 : vector<1x6400xf32>
    %mul3A_355 = arith.mulf %max3A_350, %max3A_354 : vector<1x6400xf32>
    %sub3A_356 = arith.subf %broadcast_in_dim3A_275, %broadcast_in_dim3A_265 : vector<1x6400xf32>
    %sub3A_357 = arith.subf %broadcast_in_dim3A_280, %broadcast_in_dim3A_270 : vector<1x6400xf32>
    %mul3A_358 = arith.mulf %sub3A_356, %sub3A_357 : vector<1x6400xf32>
    %add3A_359 = arith.addf %mul3A_39, %mul3A_358 : vector<1x6400xf32>
    %sub3A_360 = arith.subf %add3A_359, %mul3A_355 : vector<1x6400xf32>
    %add3A_361 = arith.constant 9.99999993E-9 : f32
    %add3A_362 = vector.broadcast %add3A_361 : f32 to vector<1x6400xf32>
    %add3A_363 = arith.addf %sub3A_360, %add3A_362 : vector<1x6400xf32>
    %div3A_364 = arith.divf %mul3A_355, %add3A_363 : vector<1x6400xf32>
    %logistic3A_365 = arith.negf %slice3A_7 : vector<1x6400xf32>
    %logistic3A_366 = math.exp %logistic3A_365 : vector<1x6400xf32>
    %logistic3A_367 = arith.constant 1.000000e+00 : f32
    %logistic3A_368 = vector.broadcast %logistic3A_367 : f32 to vector<1x6400xf32>
    %logistic3A_369 = arith.addf %logistic3A_368, %logistic3A_366 : vector<1x6400xf32>
    %logistic3A_370 = arith.divf %logistic3A_368, %logistic3A_369 : vector<1x6400xf32>
    %jit3A_371 = arith.constant 0.000000e+00 : f32
    %max3A_372 = vector.broadcast %jit3A_371 : f32 to vector<1x6400xf32>
    %max3A_373 = arith.maximumf %max3A_372, %logistic3A_370 : vector<1x6400xf32>
    %mul3A_374 = arith.mulf %logistic3A_370, %div3A_364 : vector<1x6400xf32>
    %sub3A_375 = arith.subf %max3A_373, %mul3A_374 : vector<1x6400xf32>
    %abs3A_376 = math.absf %logistic3A_370 : vector<1x6400xf32>
    %neg3A_377 = arith.constant 0.000000e+00 : f32
    %neg3A_378 = vector.broadcast %neg3A_377 : f32 to vector<1x6400xf32>
    %neg3A_379 = arith.subf %neg3A_378, %abs3A_376 : vector<1x6400xf32>
    %exp3A = math.exp %neg3A_379 : vector<1x6400xf32>
    %log1p3A = math.log1p %exp3A : vector<1x6400xf32>
    %add3A_380 = arith.addf %sub3A_375, %log1p3A : vector<1x6400xf32>
    %mul3A_381 = arith.mulf %convert_element_type3A_253, %add3A_380 : vector<1x6400xf32>
    %reduce_sum3A_382 = vector.shape_cast %mul3A_381 : vector<1x6400xf32> to vector<1x1x6400xf32>
    %reduce_sum3A_383 = arith.constant dense<0.000000e+00> : vector<1xf32>
    %reduce_sum3A_384 = vector.multi_reduction <add>, %reduce_sum3A_382, %reduce_sum3A_383 [1, 2] : vector<1x1x6400xf32> to vector<1xf32>
    %reduce_sum3A_385 = vector.shape_cast %reduce_sum3A_384 : vector<1xf32> to vector<1x1x1xf32>
    %reduce_sum3A_386 = vector.extract %reduce_sum3A_385[0, 0, 0] : f32 from vector<1x1x1xf32>
    %div3A_387 = arith.divf %reduce_sum3A_386, %max3A_260 : f32
    %reduce_sum3A_388 = arith.constant dense<0.000000e+00> : vector<6400xf32>
    %reduce_sum3A_389 = vector.multi_reduction <add>, %log3A_66, %reduce_sum3A_388 [0] : vector<80x6400xf32> to vector<6400xf32>
    %broadcast_in_dim3A_390 = vector.shape_cast %reduce_sum3A_389 : vector<6400xf32> to vector<1x6400xf32>
    %neg3A_391 = arith.constant 0.000000e+00 : f32
    %neg3A_392 = vector.broadcast %neg3A_391 : f32 to vector<1x6400xf32>
    %neg3A_393 = arith.subf %neg3A_392, %broadcast_in_dim3A_390 : vector<1x6400xf32>
    %dot_general3A_394 = arith.constant dense<0.000000e+00> : vector<80x6400xf32>
    %dot_general3A_395 = tpu.matmul %get3A_71, %select_n3A_248, %dot_general3A_394 {dimension_numbers = #tpu.dot_dimension_numbers<[0], [0], [1], [1], [0, 1, 1, 1], [], []>, transpose_lhs_hint = false} : vector<50x80xf32>, vector<50x6400xf32>, vector<80x6400xf32> -> vector<80x6400xf32>
    %mul3A_396 = arith.mulf %slice3A_8, %dot_general3A_395 : vector<80x6400xf32>
    %reduce_sum3A_397 = arith.constant dense<0.000000e+00> : vector<6400xf32>
    %reduce_sum3A_398 = vector.multi_reduction <add>, %mul3A_396, %reduce_sum3A_397 [0] : vector<80x6400xf32> to vector<6400xf32>
    %broadcast_in_dim3A_399 = vector.shape_cast %reduce_sum3A_398 : vector<6400xf32> to vector<1x6400xf32>
    %sub3A_400 = arith.subf %neg3A_393, %broadcast_in_dim3A_399 : vector<1x6400xf32>
    %mul3A_401 = arith.mulf %convert_element_type3A_253, %sub3A_400 : vector<1x6400xf32>
    %reduce_sum3A_402 = vector.shape_cast %mul3A_401 : vector<1x6400xf32> to vector<1x1x6400xf32>
    %reduce_sum3A_403 = arith.constant dense<0.000000e+00> : vector<1xf32>
    %reduce_sum3A_404 = vector.multi_reduction <add>, %reduce_sum3A_402, %reduce_sum3A_403 [1, 2] : vector<1x1x6400xf32> to vector<1xf32>
    %reduce_sum3A_405 = vector.shape_cast %reduce_sum3A_404 : vector<1xf32> to vector<1x1x1xf32>
    %reduce_sum3A_406 = vector.extract %reduce_sum3A_405[0, 0, 0] : f32 from vector<1x1x1xf32>
    %mul3A_407 = arith.constant 8.000000e+01 : f32
    %mul3A_408 = arith.mulf %max3A_260, %mul3A_407 : f32
    %div3A_409 = arith.divf %reduce_sum3A_406, %mul3A_408 : f32
    %broadcast_in_dim3A_410 = vector.broadcast %div3A_342 : f32 to vector<1x1xf32>
    %swap3A = arith.constant 0 : index
    %swap3A_411 = arith.constant 0 : index
    %swap3A_412 = arith.constant 0 : index
    %swap3A_413 = vector.load %arg4[%swap3A, %swap3A_411, %swap3A_412] : memref<1x1x1xf32, #tpu.memory_space<vmem>>, vector<1x1x1xf32>
    %swap3A_414 = vector.shape_cast %swap3A_413 : vector<1x1x1xf32> to vector<1x1xf32>
    %swap3A_415 = vector.shape_cast %broadcast_in_dim3A_410 : vector<1x1xf32> to vector<1x1x1xf32>
    tpu.vector_store %arg4[%swap3A, %swap3A_411, %swap3A_412], %swap3A_415 {strides = array<i32>} : memref<1x1x1xf32, #tpu.memory_space<vmem>>, vector<1x1x1xf32>,
    %broadcast_in_dim3A_416 = vector.broadcast %div3A_387 : f32 to vector<1x1xf32>
    %swap3A_417 = arith.constant 0 : index
    %swap3A_418 = arith.constant 0 : index
    %swap3A_419 = arith.constant 0 : index
    %swap3A_420 = vector.load %arg5[%swap3A_417, %swap3A_418, %swap3A_419] : memref<1x1x1xf32, #tpu.memory_space<vmem>>, vector<1x1x1xf32>
    %swap3A_421 = vector.shape_cast %swap3A_420 : vector<1x1x1xf32> to vector<1x1xf32>
    %swap3A_422 = vector.shape_cast %broadcast_in_dim3A_416 : vector<1x1xf32> to vector<1x1x1xf32>
    tpu.vector_store %arg5[%swap3A_417, %swap3A_418, %swap3A_419], %swap3A_422 {strides = array<i32>} : memref<1x1x1xf32, #tpu.memory_space<vmem>>, vector<1x1x1xf32>,
    %broadcast_in_dim3A_423 = vector.broadcast %div3A_409 : f32 to vector<1x1xf32>
    %swap3A_424 = arith.constant 0 : index
    %swap3A_425 = arith.constant 0 : index
    %swap3A_426 = arith.constant 0 : index
    %swap3A_427 = vector.load %arg6[%swap3A_424, %swap3A_425, %swap3A_426] : memref<1x1x1xf32, #tpu.memory_space<vmem>>, vector<1x1x1xf32>
    %swap3A_428 = vector.shape_cast %swap3A_427 : vector<1x1x1xf32> to vector<1x1xf32>
    %swap3A_429 = vector.shape_cast %broadcast_in_dim3A_423 : vector<1x1xf32> to vector<1x1x1xf32>
    tpu.vector_store %arg6[%swap3A_424, %swap3A_425, %swap3A_426], %swap3A_429 {strides = array<i32>} : memref<1x1x1xf32, #tpu.memory_space<vmem>>, vector<1x1x1xf32>,
    return
  }
  func.func @transform_0(%arg0: i32) -> (i32, i32, i32) {
    %c0_i32 = arith.constant 0 : i32
    %c0_i32_0 = arith.constant 0 : i32
    %c0_i32_1 = arith.constant 0 : i32
    return %arg0, %c0_i32, %c0_i32_0 : i32, i32, i32
  }
  func.func @transform_1(%arg0: i32) -> (i32, i32, i32) {
    %c0_i32 = arith.constant 0 : i32
    %c0_i32_0 = arith.constant 0 : i32
    %c0_i32_1 = arith.constant 0 : i32
    return %arg0, %c0_i32, %c0_i32_0 : i32, i32, i32
  }
  func.func @transform_2(%arg0: i32) -> (i32, i32, i32) {
    %c0_i32 = arith.constant 0 : i32
    %c0_i32_0 = arith.constant 0 : i32
    %c0_i32_1 = arith.constant 0 : i32
    return %arg0, %c0_i32, %c0_i32_0 : i32, i32, i32
  }
  func.func @transform_3(%arg0: i32) -> (i32, i32, i32) {
    %c0_i32 = arith.constant 0 : i32
    %c0_i32_0 = arith.constant 0 : i32
    %c0_i32_1 = arith.constant 0 : i32
    return %arg0, %c0_i32, %c0_i32_0 : i32, i32, i32
  }
  func.func @transform_4(%arg0: i32) -> (i32, i32, i32) {
    %c0_i32 = arith.constant 0 : i32
    %c0_i32_0 = arith.constant 0 : i32
    %c0_i32_1 = arith.constant 0 : i32
    return %arg0, %c0_i32, %c0_i32_0 : i32, i32, i32
  }
  func.func @transform_5(%arg0: i32) -> (i32, i32, i32) {
    %c0_i32 = arith.constant 0 : i32
    %c0_i32_0 = arith.constant 0 : i32
    %c0_i32_1 = arith.constant 0 : i32
    return %arg0, %c0_i32, %c0_i32_0 : i32, i32, i32
  }
}

</mosaic_0001>

<sc_bundles>
// kernel: sparse-core-data-format-call.cloned.1.call-start
scs
called_computation_lowered:
.L_overlay_start_0:
0x0: {  	s1 =	sld [smem:$0x3FD9]  }
0x1: {  	s2 =	sld [smem:$0x3FFE];
	_ =	sdelay $0x1  }
0x2: {  	s3 =	srdreg.scid  }
0x3: {  	s0 =	sand.u32 $0x1, s3  }
0x4: {  	s17 =	sshll.u32 s0, $0xA;
	s1 =	sadd.s32 s2, s1  }
0x5: {  	s1 =	sadd.s32 s1, s17  }
0x6: {  	[smem:$0x3FC5] =	sst s1  }
0x7: {  	_ = 	snop  }
0x8: {  	(tm) =	ssettm $0x1  }
0x9: {  	s18 =	sld [smem:$0x3FFB];
	_ =	sdelay $0x3  }
0xa: {  	_ =	strace s18  }
0xb: {  	s1 =	sld [smem:$0x3FFC];
	_ =	sdelay $0x3  }
0xc: {  	_ =	strace s1  }
0xd: {  	s1 =	sld [smem:$0x3FFD];
	_ =	sdelay $0x3  }
0xe: {  	_ =	strace s1  }
0xf: {  	_ =	strace $0x8FFFFFFF  }
0x10: {  	s19 =	sld [smem:$0x3FDB];
	_ =	sdelay $0x1  }
0x11: {  	s20 =	simm.s32 $_scs_section_size  }
0x12: {  	s4 =	simm.s32 $_size__tile_overlayer_lowered;
	s5 =	simm.s32 $_tile_overlayer_lowered  }
0x13: {  	s23 =	simm.s32 $0x1BFF;
	s22 =	sshll.u32 s5, $0x1;
	s1 =	sadd.s32 s20, s19  }
0x14: {  	s6 =	simm.s32 $0x0;
	s21 =	sshll.u32 s4, $0x1;
	s4 =	sadd.s32 s22, s1  }
0x15: {  	[timem:s6], [sflag:s23] =	dma.local [hbm:s4], s21  }
0x16: {  	_ =	swait.ge [sflag:s23], s21  }
0x17: {  	s2 =	ssub.s32 $0x0, s21;
	[sflag:s23] =	ssyncset.done $0x0  }
0x18: {  	[sflag:s23] =	ssyncadd.s32 s2;
	_ =	sdelay $0x1  }
0x19: {  	s24 =	simm.s32 $0x1B8B  }
0x1a: {  	_ =	swait.ge [sflag:s24], $0x1  }
0x1b: {  	[sflag:s24] =	ssyncset.done $0x0  }
0x1c: {  	s26 =	simm.s32 $0x1B8E;
	s25 =	sld [smem:$0x3FFE];
	[sflag:s24] =	ssyncadd.s32 $0xFFFFFFFF  }
0x1d: {  	s27 =	simm.s32 $execute0_lowered;
	[smem:$0x3FD2] =	sst s26  }
0x1e: {  	s4 =	sshll.u32 s27, $0x1;
	_ =	strace $0x80000046;
	[dreg:$0x1] =	wrdreg $0xFFFFFFFF  }
0x1f: {  	s28 =	simm.s32 $_size_execute0_lowered;
	s1 =	sadd.s32 s1, s4;
	[dreg:$0x0] =	wrdreg $0x0  }
0x20: {  	s4 =	sshll.u32 s28, $0x1;
	[dreg:$0x2] =	wrdreg s1  }
0x21: {  	[dreg:$0x3] =	wrdreg s4  }
0x22: {  	[dreg:$0x4] =	wrdreg $0xC0  }
0x23: {  	_ =	task [dreg:s6], $0x5FFFF  }
0x24: {  	[dreg:$0x1] =	wrdreg $0xFFFFFFFF  }
0x25: {  	[dreg:$0x0] =	wrdreg $0x60  }
0x26: {  	[dreg:$0x2] =	wrdreg s25  }
0x27: {  	[dreg:$0x3] =	wrdreg $0x9  }
0x28: {  	_ =	task.clear_ibuf [dreg:s6], $0x4FFFF;
	_ =	strace $0x90000046  }
0x29: {  	s29 =	simm.s32 $0x9;
	_ =	strace $0x80000048  }
0x2a: {  	_ =	swait.ge [sflag:s29], $0x1  }
0x2b: {  	[sflag:s29] =	ssyncadd.s32 $0xFFFFFFFF  }
0x2c: {  	_ =	strace $0x90000048  }
0x2d: {  	_ =	sfence  }
0x2e: {  	s30 =	sld [smem:$0x0];
	_ =	sdelay $0x2  }
0x2f: {  	s31 =	sshll.u32 s3, $0xD;
	s3 =	sshrl.u32 s3, $0x2  }
0x30: {  	s2 =	sand.u32 $0x4000, s31;
	s1 =	sadd.s32 s3, s30  }
0x31: {  	s0 =	sor.u32 s2, s0;
	s1 =	sshll.u32 s1, $0x11  }
0x32: {  	s0 =	sor.u32 s1, s0  }
0x33: {  	s0 =	sadd.s32 $0x8F2B, s0  }
0x34: {  	[sflag:s0] =	ssyncadd.remote.s32 $0x1  }
0x35: {  	_ =	sfence.sel $0xFFFF  }
0x36: {  	[dreg:$0x0] =	wrdreg $0xFFFFFFFF;
	(pc) =	sbr.abs _section_cstart, $3  }
0x37: {  	[dreg:$0x1] =	wrdreg $0xFFFFFFFF  }
0x38: {  	_ =	task.clear_ibuf [dreg:s6], $0x2FFFF;
	_ =	strace $0x9FFFFFFF  }
0x39: {  	(tm) =	ssettm $0x7FFFFFFF  }
tec
execute0_lowered:
.L_overlay_start_1:
0x0: {  	(tag) =	ssettag $0x1  }
0x1: {  	s0 =	srdreg.scid  }
0x2: {  	s1 =	rddreg [dreg:$0x0];
	s4 =	simm.s32 $0x1;
	s7 =	simm.s32 $0x2  }
0x3: {  	s14 =	simm.s32 $0x0;
	p0 =	por $0x0, $0x0;
	s15 =	simm.s32 $0x0  }
0x4: {  	s9 =	simm.s32 $0x0;
	s10 =	simm.s32 $0x0;
	s2 =	sshll.u32 s0, $0x7  }
0x5: {  	s12 =	stileid.u32;
	s13 =	simm.s32 $0x0;
	s2 =	sand.u32 $0x80, s2  }
.Ltmp0:
0x6: {  	s0 =	rddreg [dreg:$0x1];
	s3 =	ssub.s32 $0x1900, s2;
	(pc) =	sbr.rel .LBB1_1-.Ltmp0, $4  }
0x7: {  	_ =	strace $0x80000047;
	s5 =	sadd.s32 $0x190000, s1;
	s6 =	sshrl.u32 s3, $0x7  }
0x8: {  	[sflag:s4] =	ssyncpa.u1 $0x0;
	s8 =	sshrl.u32 s3, $0x8;
	s6 =	sand.u32 $0x1, s6  }
0x9: {  	[sflag:s7] =	ssyncpa.u1 $0x0;
	s11 =	smov.u32 s2;
	s6 =	sadd.s32 s8, s6  }
0xa: {  	s3 =	stileid.u32;
	s8 =	simm.s32 $0xC800;
	s7 =	sadd.s32 $0x1, s6  }
.LBB1_4:
0xb: {  	s21 =	sshll.u32 s9, $0x3;
	s22 =	sand.u32 $0x7F, s9  }
0xc: {  	s20 =	sshra.s32 s20, $0x2;
	p1 =	sgt.s32 s10, $0xF;
	s24 =	smov.u32 s10  }
0xd: {  	s25 =	sshra.s32 s10, $0x1F;
	s27 =	smul.u32 $0x11300, s10;
	s21 =	sand.u32 $0xFFFFFC00, s21  }
0xe: {  	s24 =	simm.s32 @!p1 $0xF;
	s22 =	sor.u32 s22, s21;
	s21 =	smulhi.u32 $0x51EB851F, s21  }
0xf: {  	v5 =	vld [tilespmem:s17+$0xFFFFFFD0];
	[tilespmem:s18+$0x2040 ss:$0x81] =	vst.msk $0xffff, v4;
	s25 =	sand.u32 s25, s10;
	s19 =	sadd.s32 s20, s19;
	p1 =	sgt.s32 s9, $0x1880  }
0x10: {  	v58 =	vld [tilespmem:s17+$0xFFFFFFE0];
	[tilespmem:s18+$0x2850 ss:$0x81] =	vst.msk $0xffff, v3;
	s28 =	ssub.s32 s24, s25;
	s23 =	smulhi.u32 $0x51EB851F, s22;
	s21 =	sshrl.u32 s21, $0xB  }
0x11: {  	v59 =	vld [tilespmem:s17+$0xFFFFFFF0];
	[tilespmem:s18+$0x3060 ss:$0x81] =	vst.msk $0xffff, v2;
	s20 =	smov.u32 s9;
	s30 =	ssub.s32 $0x10, s28;
	s26 =	smulhi.u32 $0x2E8BA2F, s21  }
0x12: {  	v60 =	vld [tilespmem:s17+$0x0];
	[tilespmem:s18+$0x0 ss:$0x81] =	vst.msk $0xffff, v1;
	s31 =	sshra.s32 s9, $0x1F;
	s20 =	simm.s32 @!p1 $0x1880;
	s18 =	smul.u32 $0x58, s30  }
0x13: {  	v61 =	vld [tilespmem:s17+$0x10];
	[tilespmem:s19+$0x3870 ss:$0x81] =	vst.msk $0xffff, v0;
	s25 =	sadd.s32 $0xFFFFFFF1, s28;
	s29 =	smul.u32 $0x58, s26;
	s26 =	sand.u32 s31, s9  }
0x14: {  	v62 =	vld [tilespmem:s17+$0x20];
	p1 =	sgt.s32 s25, $0x0;
	s23 =	sshrl.u32 s23, $0xB;
	[tilespmem:s19+$0x810 ss:$0x81] =	vst.msk $0xffff, v5;
	s20 =	ssub.s32 s20, s26  }
0x15: {  	v63 =	vld [tilespmem:s17+$0xFFFFFFC0];
	[tilespmem:s19+$0x1020 ss:$0x81] =	vst.msk $0xffff, v58;
	s23 =	smul.u32 $0x1900, s23;
	s18 =	simm.s32 @p1 $0x0;
	s26 =	sadd.s32 $0xFFFFE780, s20  }
0x16: {  	[tilespmem:s19+$0x1830 ss:$0x81] =	vst.msk $0xffff, v59;
	s25 =	ssub.s32 s21, s29;
	s20 =	ssub.s32 $0x1900, s20;
	p1 =	sgt.s32 s26, $0x7F  }
0x17: {  	[tilespmem:s19+$0x2040 ss:$0x81] =	vst.msk $0xffff, v60;
	s22 =	ssub.s32 s22, s23;
	s17 =	smul.u32 $0x320, s25;
	s20 =	simm.s32 @p1 $0x0  }
0x18: {  	s28 =	sadd.s32 s5, s27;
	[tilespmem:s19+$0x2850 ss:$0x81] =	vst.msk $0xffff, v61;
	s29 =	sand.u32 $0x7, s22;
	s18 =	smul.u32 s20, s18  }
0x19: {  	[tilespmem:s19+$0x3060 ss:$0x81] =	vst.msk $0xffff, v62;
	s30 =	sshrl.u32 s22, $0x3;
	s21 =	sshll.u32 s29, $0x12;
	s17 =	sadd.s32 s17, s28  }
0x1a: {  	[tilespmem:s19+$0x0 ss:$0x81] =	vst.msk $0xffff, v63;
	s31 =	sor.u32 $0x400, s21;
	s17 =	sadd.s32 s30, s17;
	s18 =	sand.u32 $0x3FFFFFF8, s18  }
0x1b: {  	[hbm4b:s17+s31] =	stream.strided.scatter [tilespmem:s16], [sflag:$0x2], s18, s8, s31, $0x20;
	[tilespmem:$0x10100] =	vst v63  }
.LBB1_5:
0x1c: {  	p1 =	slt.u32 s13, $0x2  }
0x1d: {  	s17 =	smov.u32 s15;
	p2 =	sgt.s32 @!p1 s15, $0xF;
	s16 =	sshra.s32 @!p1 s15, $0x1F  }
0x1e: {  	p3 =	sgt.s32 @!p1 s14, $0x1880;
	s18 =	sshra.s32 @!p1 s14, $0x1F;
	p2 =	por !p2, p1  }
0x1f: {  	s15 =	sand.u32 @!p1 s16, s15;
	p3 =	por !p3, p1;
	s16 =	smov.u32 s14  }
0x20: {  	s14 =	sand.u32 @!p1 s18, s14;
	s17 =	simm.s32 @p2 $0xF;
	s16 =	simm.s32 @p3 $0x1880  }
0x21: {  	s18 =	smov.u32 s12;
	s15 =	ssub.s32 @!p1 s17, s15;
	s14 =	ssub.s32 @!p1 s16, s14  }
0x22: {  	s16 =	sadd.s32 @!p1 $0xFFFFFFF1, s15;
	s15 =	ssub.s32 @!p1 $0x10, s15;
	s17 =	sadd.s32 @!p1 $0xFFFFE780, s14  }
0x23: {  	p2 =	sgt.s32 @!p1 s16, $0x0;
	s15 =	smul.u32 @!p1 $0x58, s15;
	p3 =	sgt.s32 @!p1 s17, $0x7F  }
0x24: {  	s14 =	ssub.s32 @!p1 $0x1900, s14;
	p2 =	por !p2, p1;
	p3 =	por !p3, p1  }
0x25: {  	s16 =	sadd.s32 $0x100, s11;
	s15 =	simm.s32 @!p2 $0x0;
	s14 =	simm.s32 @!p3 $0x0  }
0x26: {  	p2 =	sgt.s32 s16, $0x18FF;
	s14 =	smul.u32 @!p1 s14, s15;
	s15 =	sadd.s32 $0x10, s12  }
0x27: {  	s18 =	smov.u32 @p2 s15  }
0x28: {  	s16 =	smov.u32 @p2 s2;
	p2 =	sgt.s32 s18, $0xF  }
0x29: {  	s18 =	smov.u32 @p2 s3;
	p2 =	sne.s32 s13, s7  }
.Ltmp1:
0x2a: {  	p0 =	por !p0, !p0;
	s17 =	simm.s32 @!p1 $0x2;
	(pc) =	sbr.rel @!p2 .LBB1_6-.Ltmp1, $4  }
0x2b: {  	s15 =	smov.u32 s10;
	s10 =	smov.u32 s12;
	s14 =	sand.u32 @!p1 $0x3FFFFFF8, s14  }
0x2c: {  	_ =	swait.ge @!p1 [sflag:s17], s14;
	s19 =	ssub.s32 @!p1 $0x0, s14;
	s14 =	smov.u32 s9  }
0x2d: {  	s13 =	sadd.s32 $0x1, s13;
	s9 =	smov.u32 s11;
	[sflag:s17] =	ssyncset.done @!p1 $0x0  }
0x2e: {  	s11 =	smov.u32 s16;
	s12 =	smov.u32 s18;
	[sflag:s17] =	ssyncadd.s32 @!p1 s19  }
.LBB1_1:
0x2f: {  	p1 =	sge.u32 s13, s6  }
0x30: {  	s16 =	sand.u32 @!p1 $0x1FFFFFF, s11  }
0x31: {  	s17 =	smulhi.u32 @!p1 $0x147AE15, s16;
	_ =	sdelay $0x1  }
0x32: {  	s17 =	sshrl.u32 @!p1 s17, $0x5  }
0x33: {  	s17 =	smul.u32 @!p1 $0x1900, s17  }
0x34: {  	s18 =	smul.u32 @!p1 $0x19000, s12  }
0x35: {  	s31 =	sadd.s32 $0xFFFFFFFF, s13;
	s16 =	ssub.s32 @!p1 s16, s17;
	s17 =	sxor.u32 @!p1 $0xFFFFFFFF, s13  }
0x36: {  	s18 =	sadd.s32 @!p1 s1, s18;
	s17 =	sshll.u32 @!p1 s17, $0xE;
	s16 =	sshll.u32 @!p1 s16, $0x4  }
0x37: {  	s17 =	sand.u32 @!p1 $0x4000, s17;
	s16 =	sadd.s32 @!p1 s16, s18;
	s18 =	simm.s32 @!p1 $0x0  }
0x38: {  	[tilespmem:s17], [sflag:$0x1] =	stream.linear.gather @!p1 [hbm4b:s16+s18], $0x4000, $0x38;
	[tilespmem:$0x10100] =	vst v63  }
0x39: {  	p1 =	sge.u32 s31, s6  }
.Ltmp2:
0x3a: {  	_ = 	snop;
	(pc) =	sbr.rel @p1 .LBB1_5-.Ltmp2, $1  }
0x3b: {  	_ =	sdelay $0x3  }
0x3c: {  	s16 =	simm.s32 $0x1  }
0x3d: {  	_ =	swait.ge [sflag:s4], $0x4000;
	s16 =	simm.s32 @!p0 $0x0  }
0x3e: {  	[sflag:s4] =	ssyncset.done $0x0;
	s17 =	sshll.u32 s16, $0xE  }
0x3f: {  	[sflag:s4] =	ssyncadd.s32 $0xFFFFC000;
	s17 =	sor.u32 $0x40, s17  }
0x40: {  	s16 =	smul.u32 $0x10200, s16;
	v0 =	vld [tilespmem:s17+$0x30]  }
0x41: {  	v1 =	vld [tilespmem:s17+$0xFFFFFFD0]  }
0x42: {  	s16 =	sshrl.u32 s16, $0x2;
	v5 =	vld [tilespmem:s17+$0xFFFFFFE0]  }
0x43: {  	v6 =	vld [tilespmem:s17+$0xFFFFFFF0];
	s19 =	sor.u32 $0x8000, s16  }
0x44: {  	s31 =	sand.u32 $0x1, s13;
	v4 =	vld [tilespmem:s17+$0x0];
	s18 =	sadd.s32 $0x0, s19  }
0x45: {  	v3 =	vld [tilespmem:s17+$0x10];
	s16 =	smul.u32 $0x10200, s31;
	[tilespmem:s18+$0x3870 ss:$0x81] =	vst.msk $0xffff, v0  }
0x46: {  	v2 =	vld [tilespmem:s17+$0x20];
	[tilespmem:s18+$0x810 ss:$0x81] =	vst.msk $0xffff, v1  }
0x47: {  	s16 =	sshrl.u32 s16, $0x2;
	v1 =	vld [tilespmem:s17+$0xFFFFFFC0];
	[tilespmem:s18+$0x1020 ss:$0x81] =	vst.msk $0xffff, v5;
	s17 =	sadd.s32 $0x80, s17  }
0x48: {  	s20 =	simm.s32 $0x4;
	s21 =	simm.s32 $0x8;
	s16 =	sor.u32 $0x8000, s16;
	[tilespmem:s18+$0x1830 ss:$0x81] =	vst.msk $0xffff, v6;
	v0 =	vld [tilespmem:s17+$0x30]  }
.LBB1_3:
0x49: {  	p1 =	sne.s32 s21, $0x1FC;
	v5 =	vld [tilespmem:s17+$0xFFFFFFD0];
	[tilespmem:s18+$0x2040 ss:$0x81] =	vst.msk $0xffff, v4  }
0x4a: {  	v6 =	vld [tilespmem:s17+$0xFFFFFFE0];
	[tilespmem:s18+$0x2850 ss:$0x81] =	vst.msk $0xffff, v3  }
0x4b: {  	s22 =	sshra.s32 s20, $0x2;
	s20 =	smov.u32 s21;
	v7 =	vld [tilespmem:s17+$0xFFFFFFF0];
	[tilespmem:s18+$0x3060 ss:$0x81] =	vst.msk $0xffff, v2  }
.Ltmp3:
0x4c: {  	v4 =	vld [tilespmem:s17+$0x0];
	[tilespmem:s18+$0x0 ss:$0x81] =	vst.msk $0xffff, v1;
	s18 =	sadd.s32 s22, s19;
	(pc) =	sbr.rel @p1 .LBB1_3-.Ltmp3, $4  }
0x4d: {  	v3 =	vld [tilespmem:s17+$0x10];
	[tilespmem:s18+$0x3870 ss:$0x81] =	vst.msk $0xffff, v0  }
0x4e: {  	[tilespmem:s18+$0x810 ss:$0x81] =	vst.msk $0xffff, v5;
	v2 =	vld [tilespmem:s17+$0x20]  }
0x4f: {  	v1 =	vld [tilespmem:s17+$0xFFFFFFC0];
	[tilespmem:s18+$0x1020 ss:$0x81] =	vst.msk $0xffff, v6;
	s17 =	sadd.s32 $0x80, s17  }
0x50: {  	s21 =	sadd.s32 $0x4, s21;
	v0 =	vld [tilespmem:s17+$0x30];
	[tilespmem:s18+$0x1830 ss:$0x81] =	vst.msk $0xffff, v7  }
.Ltmp4:
0x51: {  	_ = 	snop;
	(pc) =	sbr.rel .LBB1_4-.Ltmp4, $1  }
0x52: {  	_ =	sdelay $0x3  }
.LBB1_6:
0x53: {  	_ =	sfence.sel $0x180000  }
0x54: {  	s1 =	simm.s32 $0x1;
	[bflag:$0x0] =	sbarrier.arrive $0xFFFF  }
0x55: {  	s31 =	simm.s32 $0x2;
	[sflag:s1] =	ssyncpa.u1 $0x1  }
0x56: {  	[sflag:s31] =	ssyncpa.u1 $0x1  }
0x57: {  	p0 =	sne.s32 s3, $0x0;
	_ =	strace $0x90000047  }
0x58: {  	s0 =	sadd.s32 @!p0 $0x100000, s0;
	[bflag:$0x2] =	sbarrier.arrive $0xFFFF  }
0x59: {  	[sflag:s0] =	ssyncadd.tile.s32 @!p0 $0x1;
	_ =	shalt  }
.Lfunc_end1:
_tile_overlayer_lowered:
.L_overlay_start_2:
0x5a: {  	(tag) =	ssettag $0x2  }
0x5b: {  	s0 =	rddreg [dreg:$0x0];
	s2 =	stileid.u32  }
0x5c: {  	s1 =	rddreg [dreg:$0x1];
	p0 =	sne.s32 s2, $0x0  }
0x5d: {  	s3 =	rddreg [dreg:$0x2];
	[bflag:$0x3] =	sbarrier.arrive $0xFFFF;
	s2 =	simm.s32 @!p0 $0x1C01  }
0x5e: {  	[timem:s3], [sflag:s2] =	dma.local @!p0 [hbm:s0], s1  }
0x5f: {  	s0 =	simm.s32 @!p0 $0x1  }
0x60: {  	_ =	swait.ge @!p0 [sflag:s0], s1  }
0x61: {  	s1 =	ssub.s32 @!p0 $0x0, s1;
	[sflag:s0] =	ssyncset.done @!p0 $0x0  }
0x62: {  	[sflag:s0] =	ssyncadd.s32 @!p0 s1  }
0x63: {  	[bflag:$0x3] =	sbarrier.arrive $0xFFFF  }
0x64: {  	_ =	shalt  }

</sc_bundles>
